<compile_context>
chip_gen: v7x
topology: tpu7x:2x2x1
jax: 0.10.2.dev20260603
libtpu: 0.0.44.dev20260713+nightly
codegen_flags: <defaults>
</compile_context>

<pallas_src>
import jax
import jax.numpy as jnp
from jax.experimental import pallas as pl
from jax.experimental.pallas import tpu as pltpu

_B = 64
_S = 32768
_BS = 8
_NB = _B // _BS
_N = _B * _S


def _body(x_ref, l_ref, loss_ref, npos_ref, e_scr, rs_scr, cnt_ref, sum_ref):
    i = pl.program_id(0)

    @pl.when(i == 0)
    def _init():
        cnt_ref[0] = 0
        sum_ref[0] = 0.0

    @pl.when(i < _NB)
    def _compute():
        x0 = x_ref[0]
        l0 = l_ref[0]
        t = jnp.log1p(jnp.exp(-jnp.abs(x0)))
        elems = jnp.maximum(x0, 0.0) + t - l0 * x0
        sel = l0 > 0.5
        cnt_ref[0] += jnp.sum(sel.astype(jnp.int32))
        sum_ref[0] += jnp.sum(jnp.where(sel, elems, 0.0))
        e_scr[pl.ds(i * _BS, _BS), :] = elems
        rs_scr[pl.ds(i * _BS, _BS), :] = jnp.sum(elems, axis=1, keepdims=True)

    @pl.when(i == _NB)
    def _final():
        n_pos = cnt_ref[0]
        n_neg = _N - n_pos
        q = jnp.minimum(n_neg // _S, _B - 1)
        rem = n_neg - q * _S
        rows = jax.lax.broadcasted_iota(jnp.int32, (_B, 1), 0)
        full_sum = jnp.sum(jnp.where(rows < q, rs_scr[...], 0.0))
        erow = e_scr[pl.ds(q, 1), :]
        lane = jax.lax.broadcasted_iota(jnp.int32, (1, _S), 1)
        part_sum = jnp.sum(jnp.where(lane < rem, erow, 0.0))
        neg_sum = full_sum + part_sum
        k = jnp.minimum(3 * n_pos, n_neg)
        loss = (sum_ref[0] / n_pos.astype(jnp.float32)
                + neg_sum / k.astype(jnp.float32))
        loss_ref[0, 0] = loss
        npos_ref[0, 0] = n_pos


def _xla_exact(x, label):
    xf = jnp.reshape(x[:, :, 0], (-1,))
    lf = jnp.reshape(label[:, :, 0], (-1,))
    sel = lf > 0.5
    neg = jnp.logical_not(sel)
    n_pos = jnp.sum(sel.astype(jnp.int32))
    n_neg = _N - n_pos
    k = jnp.minimum(3 * n_pos, n_neg)
    p = jax.nn.sigmoid(xf)
    logp = jnp.clip(jnp.log(p), -100.0, None)
    log1mp = jnp.clip(jnp.log(1.0 - p), -100.0, None)
    elems = -(lf * logp + (1.0 - lf) * log1mp)
    db = jax.lax.bitcast_convert_type(jnp.abs(xf - lf), jnp.uint32)

    def bit_step(b, acc):
        trial = acc | jnp.uint32(1) << (jnp.uint32(31) - b)
        cnt = jnp.sum((neg & (db >= trial)).astype(jnp.int32))
        return jnp.where(cnt >= k, trial, acc)

    t = jax.lax.fori_loop(jnp.uint32(0), jnp.uint32(32), bit_step,
                          jnp.uint32(0))
    gt = neg & (db > t)
    c_gt = jnp.sum(gt.astype(jnp.int32))
    tie = neg & (db == t)
    tie_before = jnp.cumsum(tie.astype(jnp.int32)) - tie.astype(jnp.int32)
    take = gt | (tie & (tie_before < k - c_gt))
    rank = jnp.cumsum(neg.astype(jnp.int32)) - 1
    e_at_rank = jnp.take(elems, rank, mode="clip")
    neg_sum = jnp.sum(jnp.where(take, e_at_rank, 0.0))
    pos_sum = jnp.sum(jnp.where(sel, elems, 0.0))
    return (pos_sum / n_pos.astype(jnp.float32)
            + neg_sum / k.astype(jnp.float32))


@jax.jit
def kernel(x, label):
    xt = jnp.transpose(x, (2, 0, 1))
    lt = jnp.transpose(label, (2, 0, 1))
    loss, npos = pl.pallas_call(
        _body,
        grid=(_NB + 1,),
        in_specs=[
            pl.BlockSpec((1, _BS, _S),
                         lambda i: (0, jnp.minimum(i, _NB - 1), 0)),
            pl.BlockSpec((1, _BS, _S),
                         lambda i: (0, jnp.minimum(i, _NB - 1), 0)),
        ],
        out_specs=[
            pl.BlockSpec(memory_space=pltpu.SMEM),
            pl.BlockSpec(memory_space=pltpu.SMEM),
        ],
        out_shape=[
            jax.ShapeDtypeStruct((1, 1), jnp.float32),
            jax.ShapeDtypeStruct((1, 1), jnp.int32),
        ],
        scratch_shapes=[
            pltpu.VMEM((_B, _S), jnp.float32),
            pltpu.VMEM((_B, 1), jnp.float32),
            pltpu.SMEM((1,), jnp.int32),
            pltpu.SMEM((1,), jnp.float32),
        ],
    )(xt, lt)
    n_pos = npos[0, 0]
    n_neg = _N - n_pos
    return jax.lax.cond(
        3 * n_pos >= n_neg,
        lambda: loss[0, 0],
        lambda: _xla_exact(x, label),
    )

# --- scband reference (transcript-rebuilt; emitter-appended) ---
"""Pipeline reference for scband-loss-40836549050669 (READ-ONLY COPY).

The authoritative reference and input builder live on the scoring server;
editing this copy changes nothing except your own understanding.
"""

import jax, jax.numpy as jnp
import numpy as np


def setup_inputs(seed: int = 0) -> dict:
    key = jax.random.key(seed)
    k1, k2 = jax.random.split(key)
    x = jax.random.normal(k1, (64, 32768, 5), dtype=jnp.float32)
    label = jax.random.uniform(k2, (64, 32768, 5), dtype=jnp.float32)
    return {"x": x, "label": label}


def _bce_mean(p, y):
    # torch.nn.BCELoss: mean of -(y*log(p) + (1-y)*log(1-p)), with log clamped at -100
    logp = jnp.clip(jnp.log(p), -100.0, None)
    log1mp = jnp.clip(jnp.log(1.0 - p), -100.0, None)
    return jnp.mean(-(y * logp + (1.0 - y) * log1mp))


def reference(x, label):
    c = x.shape[-1]
    xf = jnp.reshape(x, (-1, c))
    lf = jnp.reshape(label, (-1, c))
    n = xf.shape[0]
    select = lf[:, 0] > 0.5
    n_pos = jnp.sum(select)
    n_neg = n - n_pos
    # compact negatives to the front in ascending original-index order (stable sort:
    # False sorts before True), matching the original neg_idx ordering
    neg_first = jnp.argsort(select, stable=True)
    # hard negative mining: sort negatives by |conf diff| descending, keep 3*n_pos;
    # padded (positive) slots get -inf so they sort last and are never taken
    diff_compact = jnp.abs(xf[neg_first, 0] - lf[neg_first, 0])
    positions = jnp.arange(n)
    diff_masked = jnp.where(positions < n_neg, diff_compact, -jnp.inf)
    order = jnp.argsort(-diff_masked, stable=True)
    # NOTE: faithful to the original torch code, these indices (computed within the
    # negative subset) are then used to index the FULL flattened tensors.
    k = jnp.minimum(n_pos * 3, n_neg)
    p = jax.nn.sigmoid(xf[:, 0])
    y = lf[:, 0]
    logp = jnp.clip(jnp.log(p), -100.0, None)
    log1mp = jnp.clip(jnp.log(1.0 - p), -100.0, None)
    elems = -(y * logp + (1.0 - y) * log1mp)
    loss = jnp.sum(jnp.where(select, elems, 0.0)) / n_pos
    neg_elems = elems[order]
    loss = loss + jnp.sum(jnp.where(positions < k, neg_elems, 0.0)) / k
    return loss

if __name__ == "__main__":
    import jax
    _d = setup_inputs()
    print(jax.jit(kernel)(*tuple(_d.values())))

</pallas_src>

<mosaic_0001>
module attributes {stable_mosaic.version = 14 : i64} {
  func.func @_body(%arg0: i32, %arg1: memref<1x8x32768xf32, #tpu.memory_space<vmem>>, %arg2: memref<1x8x32768xf32, #tpu.memory_space<vmem>>, %arg3: memref<1x1xf32, #tpu.memory_space<smem>>, %arg4: memref<1x1xi32, #tpu.memory_space<smem>>, %arg5: memref<64x32768xf32, #tpu.memory_space<vmem>>, %arg6: memref<64x1xf32, #tpu.memory_space<vmem>>, %arg7: memref<1xi32, #tpu.memory_space<smem>>, %arg8: memref<1xf32, #tpu.memory_space<smem>>) attributes {dimension_semantics = [#tpu.dimension_semantics<arbitrary>], iteration_bounds = array<i64: 9>, scalar_prefetch = 0 : i64, scratch_operands = 4 : i64, tpu.core_type = #tpu.core_type<tc>, window_params = [{transform_indices = @transform_0, window_bounds = array<i64: 1, 8, 32768>}, {transform_indices = @transform_1, window_bounds = array<i64: 1, 8, 32768>}, {transform_indices = @transform_2, window_bounds = array<i64: 1, 1>}, {transform_indices = @transform_3, window_bounds = array<i64: 1, 1>}]} {
    %eq3A = arith.constant 0 : i32
    %eq3A_0 = arith.cmpi eq, %arg0, %eq3A : i32
    %convert_element_type3A = arith.extui %eq3A_0 : i1 to i32
    %cond3A = arith.constant 0 : i32
    %cond3A_1 = arith.cmpi ne, %convert_element_type3A, %cond3A : i32
    scf.if %cond3A_1 {
      %swap3A = arith.constant 0 : i32
      %swap3A_11 = arith.constant 0 : index
      %swap3A_12 = memref.load %arg7[%swap3A_11] : memref<1xi32, #tpu.memory_space<smem>>
      memref.store %swap3A, %arg7[%swap3A_11] : memref<1xi32, #tpu.memory_space<smem>>
      %swap3A_13 = arith.constant 0.000000e+00 : f32
      %swap3A_14 = arith.constant 0 : index
      %swap3A_15 = memref.load %arg8[%swap3A_14] : memref<1xf32, #tpu.memory_space<smem>>
      memref.store %swap3A_13, %arg8[%swap3A_14] : memref<1xf32, #tpu.memory_space<smem>>
    } else {
    }
    %lt3A = arith.constant 8 : i32
    %lt3A_2 = arith.cmpi slt, %arg0, %lt3A : i32
    %convert_element_type3A_3 = arith.extui %lt3A_2 : i1 to i32
    %cond3A_4 = arith.constant 0 : i32
    %cond3A_5 = arith.cmpi ne, %convert_element_type3A_3, %cond3A_4 : i32
    scf.if %cond3A_5 {
      %get3A = arith.constant 0 : index
      %get3A_11 = arith.constant 0 : index
      %get3A_12 = arith.constant 0 : index
      %get3A_13 = vector.load %arg1[%get3A, %get3A_11, %get3A_12] : memref<1x8x32768xf32, #tpu.memory_space<vmem>>, vector<1x8x32768xf32>
      %get3A_14 = vector.shape_cast %get3A_13 : vector<1x8x32768xf32> to vector<8x32768xf32>
      %get3A_15 = arith.constant 0 : index
      %get3A_16 = arith.constant 0 : index
      %get3A_17 = arith.constant 0 : index
      %get3A_18 = vector.load %arg2[%get3A_15, %get3A_16, %get3A_17] : memref<1x8x32768xf32, #tpu.memory_space<vmem>>, vector<1x8x32768xf32>
      %get3A_19 = vector.shape_cast %get3A_18 : vector<1x8x32768xf32> to vector<8x32768xf32>
      %abs3A = math.absf %get3A_14 : vector<8x32768xf32>
      %neg3A = arith.constant 0.000000e+00 : f32
      %neg3A_20 = vector.broadcast %neg3A : f32 to vector<8x32768xf32>
      %neg3A_21 = arith.subf %neg3A_20, %abs3A : vector<8x32768xf32>
      %exp3A = math.exp %neg3A_21 : vector<8x32768xf32>
      %log1p3A = math.log1p %exp3A : vector<8x32768xf32>
      %max3A = arith.constant 0.000000e+00 : f32
      %max3A_22 = vector.broadcast %max3A : f32 to vector<8x32768xf32>
      %max3A_23 = arith.maximumf %get3A_14, %max3A_22 : vector<8x32768xf32>
      %add3A = arith.addf %max3A_23, %log1p3A : vector<8x32768xf32>
      %mul3A = arith.mulf %get3A_19, %get3A_14 : vector<8x32768xf32>
      %sub3A = arith.subf %add3A, %mul3A : vector<8x32768xf32>
      %gt3A = arith.constant 5.000000e-01 : f32
      %gt3A_24 = vector.broadcast %gt3A : f32 to vector<8x32768xf32>
      %gt3A_25 = arith.cmpf ogt, %get3A_19, %gt3A_24 : vector<8x32768xf32>
      %get3A_26 = arith.constant 0 : index
      %get3A_27 = memref.load %arg7[%get3A_26] : memref<1xi32, #tpu.memory_space<smem>>
      %convert_element_type3A_28 = arith.extui %gt3A_25 : vector<8x32768xi1> to vector<8x32768xi32>
      %reduce_sum3A = vector.shape_cast %convert_element_type3A_28 : vector<8x32768xi32> to vector<1x8x32768xi32>
      %reduce_sum3A_29 = arith.constant dense<0> : vector<1xi32>
      %reduce_sum3A_30 = vector.multi_reduction <add>, %reduce_sum3A, %reduce_sum3A_29 [1, 2] : vector<1x8x32768xi32> to vector<1xi32>
      %reduce_sum3A_31 = vector.shape_cast %reduce_sum3A_30 : vector<1xi32> to vector<1x1x1xi32>
      %reduce_sum3A_32 = vector.extract %reduce_sum3A_31[0, 0, 0] : i32 from vector<1x1x1xi32>
      %add3A_33 = arith.addi %get3A_27, %reduce_sum3A_32 : i32
      %swap3A = arith.constant 0 : index
      %swap3A_34 = memref.load %arg7[%swap3A] : memref<1xi32, #tpu.memory_space<smem>>
      memref.store %add3A_33, %arg7[%swap3A] : memref<1xi32, #tpu.memory_space<smem>>
      %get3A_35 = arith.constant 0 : index
      %get3A_36 = memref.load %arg8[%get3A_35] : memref<1xf32, #tpu.memory_space<smem>>
      %jit3A = arith.constant 0.000000e+00 : f32
      %broadcast_in_dim3A = vector.broadcast %jit3A : f32 to vector<8x32768xf32>
      %select_n3A = arith.select %gt3A_25, %sub3A, %broadcast_in_dim3A : vector<8x32768xi1>, vector<8x32768xf32>
      %reduce_sum3A_37 = vector.shape_cast %select_n3A : vector<8x32768xf32> to vector<1x8x32768xf32>
      %reduce_sum3A_38 = arith.constant dense<0.000000e+00> : vector<1xf32>
      %reduce_sum3A_39 = vector.multi_reduction <add>, %reduce_sum3A_37, %reduce_sum3A_38 [1, 2] : vector<1x8x32768xf32> to vector<1xf32>
      %reduce_sum3A_40 = vector.shape_cast %reduce_sum3A_39 : vector<1xf32> to vector<1x1x1xf32>
      %reduce_sum3A_41 = vector.extract %reduce_sum3A_40[0, 0, 0] : f32 from vector<1x1x1xf32>
      %add3A_42 = arith.addf %get3A_36, %reduce_sum3A_41 : f32
      %swap3A_43 = arith.constant 0 : index
      %swap3A_44 = memref.load %arg8[%swap3A_43] : memref<1xf32, #tpu.memory_space<smem>>
      memref.store %add3A_42, %arg8[%swap3A_43] : memref<1xf32, #tpu.memory_space<smem>>
      %mul3A_45 = arith.constant 8 : i32
      %mul3A_46 = arith.muli %arg0, %mul3A_45 : i32
      %swap3A_47 = arith.index_cast %mul3A_46 : i32 to index
      %swap3A_48 = arith.constant 0 : index
      %swap3A_49 = vector.load %arg5[%swap3A_47, %swap3A_48] : memref<64x32768xf32, #tpu.memory_space<vmem>>, vector<8x32768xf32>
      tpu.vector_store %arg5[%swap3A_47, %swap3A_48], %sub3A {strides = array<i32>} : memref<64x32768xf32, #tpu.memory_space<vmem>>, vector<8x32768xf32>,
      %reduce_sum3A_50 = arith.constant dense<0.000000e+00> : vector<8xf32>
      %reduce_sum3A_51 = vector.multi_reduction <add>, %sub3A, %reduce_sum3A_50 [1] : vector<8x32768xf32> to vector<8xf32>
      %broadcast_in_dim3A_52 = vector.shape_cast %reduce_sum3A_51 : vector<8xf32> to vector<8x1xf32>
      %mul3A_53 = arith.constant 8 : i32
      %mul3A_54 = arith.muli %arg0, %mul3A_53 : i32
      %swap3A_55 = arith.index_cast %mul3A_54 : i32 to index
      %swap3A_56 = arith.constant 0 : index
      %swap3A_57 = vector.load %arg6[%swap3A_55, %swap3A_56] : memref<64x1xf32, #tpu.memory_space<vmem>>, vector<8x1xf32>
      tpu.vector_store %arg6[%swap3A_55, %swap3A_56], %broadcast_in_dim3A_52 {strides = array<i32>} : memref<64x1xf32, #tpu.memory_space<vmem>>, vector<8x1xf32>,
    } else {
    }
    %eq3A_6 = arith.constant 8 : i32
    %eq3A_7 = arith.cmpi eq, %arg0, %eq3A_6 : i32
    %convert_element_type3A_8 = arith.extui %eq3A_7 : i1 to i32
    %cond3A_9 = arith.constant 0 : i32
    %cond3A_10 = arith.cmpi ne, %convert_element_type3A_8, %cond3A_9 : i32
    scf.if %cond3A_10 {
      %get3A = arith.constant 0 : index
      %get3A_11 = memref.load %arg7[%get3A] : memref<1xi32, #tpu.memory_space<smem>>
      %sub3A = arith.constant 2097152 : i32
      %sub3A_12 = arith.subi %sub3A, %get3A_11 : i32
      %jit3A = arith.constant 32768 : i32
      %div3A = arith.divsi %sub3A_12, %jit3A : i32
      %sign3A = arith.constant 0 : i32
      %sign3A_13 = arith.cmpi sgt, %sub3A_12, %sign3A : i32
      %sign3A_14 = arith.extui %sign3A_13 : i1 to i32
      %sign3A_15 = arith.constant 0 : i32
      %sign3A_16 = arith.cmpi slt, %sub3A_12, %sign3A_15 : i32
      %sign3A_17 = arith.extui %sign3A_16 : i1 to i32
      %sign3A_18 = arith.subi %sign3A_14, %sign3A_17 : i32
      %sign3A_19 = arith.constant 0 : i32
      %sign3A_20 = arith.cmpi sgt, %jit3A, %sign3A_19 : i32
      %sign3A_21 = arith.extui %sign3A_20 : i1 to i32
      %sign3A_22 = arith.constant 0 : i32
      %sign3A_23 = arith.cmpi slt, %jit3A, %sign3A_22 : i32
      %sign3A_24 = arith.extui %sign3A_23 : i1 to i32
      %sign3A_25 = arith.subi %sign3A_21, %sign3A_24 : i32
      %ne3A = arith.cmpi ne, %sign3A_18, %sign3A_25 : i32
      %rem3A = arith.remsi %sub3A_12, %jit3A : i32
      %ne3A_26 = arith.constant 0 : i32
      %ne3A_27 = arith.cmpi ne, %rem3A, %ne3A_26 : i32
      %and3A = arith.andi %ne3A, %ne3A_27 : i1
      %sub3A_28 = arith.constant 1 : i32
      %sub3A_29 = arith.subi %div3A, %sub3A_28 : i32
      %select_n3A = arith.select %and3A, %sub3A_29, %div3A : i32
      %min3A = arith.constant 63 : i32
      %min3A_30 = arith.minsi %select_n3A, %min3A : i32
      %mul3A = arith.constant 32768 : i32
      %mul3A_31 = arith.muli %min3A_30, %mul3A : i32
      %sub3A_32 = arith.subi %sub3A_12, %mul3A_31 : i32
      %iota3A = tpu.iota {dimensions = array<i32: 0>} : vector<64x1xi32>
      %lt3A_33 = vector.broadcast %min3A_30 : i32 to vector<64x1xi32>
      %lt3A_34 = arith.cmpi slt, %iota3A, %lt3A_33 : vector<64x1xi32>
      %get3A_35 = arith.constant 0 : index
      %get3A_36 = arith.constant 0 : index
      %get3A_37 = vector.load %arg6[%get3A_35, %get3A_36] : memref<64x1xf32, #tpu.memory_space<vmem>>, vector<64x1xf32>
      %jit3A_38 = arith.constant 0.000000e+00 : f32
      %broadcast_in_dim3A = vector.broadcast %jit3A_38 : f32 to vector<64x1xf32>
      %select_n3A_39 = arith.select %lt3A_34, %get3A_37, %broadcast_in_dim3A : vector<64x1xi1>, vector<64x1xf32>
      %reduce_sum3A = vector.shape_cast %select_n3A_39 : vector<64x1xf32> to vector<1x64x1xf32>
      %reduce_sum3A_40 = arith.constant dense<0.000000e+00> : vector<1xf32>
      %reduce_sum3A_41 = vector.multi_reduction <add>, %reduce_sum3A, %reduce_sum3A_40 [1, 2] : vector<1x64x1xf32> to vector<1xf32>
      %reduce_sum3A_42 = vector.shape_cast %reduce_sum3A_41 : vector<1xf32> to vector<1x1x1xf32>
      %reduce_sum3A_43 = vector.extract %reduce_sum3A_42[0, 0, 0] : f32 from vector<1x1x1xf32>
      %get3A_44 = arith.index_cast %min3A_30 : i32 to index
      %get3A_45 = arith.constant 0 : index
      %get3A_46 = vector.load %arg5[%get3A_44, %get3A_45] : memref<64x32768xf32, #tpu.memory_space<vmem>>, vector<1x32768xf32>
      %iota3A_47 = tpu.iota {dimensions = array<i32: 1>} : vector<1x32768xi32>
      %lt3A_48 = vector.broadcast %sub3A_32 : i32 to vector<1x32768xi32>
      %lt3A_49 = arith.cmpi slt, %iota3A_47, %lt3A_48 : vector<1x32768xi32>
      %jit3A_50 = arith.constant 0.000000e+00 : f32
      %broadcast_in_dim3A_51 = vector.broadcast %jit3A_50 : f32 to vector<1x32768xf32>
      %select_n3A_52 = arith.select %lt3A_49, %get3A_46, %broadcast_in_dim3A_51 : vector<1x32768xi1>, vector<1x32768xf32>
      %reduce_sum3A_53 = vector.shape_cast %select_n3A_52 : vector<1x32768xf32> to vector<1x1x32768xf32>
      %reduce_sum3A_54 = arith.constant dense<0.000000e+00> : vector<1xf32>
      %reduce_sum3A_55 = vector.multi_reduction <add>, %reduce_sum3A_53, %reduce_sum3A_54 [1, 2] : vector<1x1x32768xf32> to vector<1xf32>
      %reduce_sum3A_56 = vector.shape_cast %reduce_sum3A_55 : vector<1xf32> to vector<1x1x1xf32>
      %reduce_sum3A_57 = vector.extract %reduce_sum3A_56[0, 0, 0] : f32 from vector<1x1x1xf32>
      %add3A = arith.addf %reduce_sum3A_43, %reduce_sum3A_57 : f32
      %mul3A_58 = arith.constant 3 : i32
      %mul3A_59 = arith.muli %mul3A_58, %get3A_11 : i32
      %min3A_60 = arith.minsi %mul3A_59, %sub3A_12 : i32
      %get3A_61 = arith.constant 0 : index
      %get3A_62 = memref.load %arg8[%get3A_61] : memref<1xf32, #tpu.memory_space<smem>>
      %convert_element_type3A_63 = arith.sitofp %get3A_11 : i32 to f32
      %div3A_64 = arith.divf %get3A_62, %convert_element_type3A_63 : f32
      %convert_element_type3A_65 = arith.sitofp %min3A_60 : i32 to f32
      %div3A_66 = arith.divf %add3A, %convert_element_type3A_65 : f32
      %add3A_67 = arith.addf %div3A_64, %div3A_66 : f32
      %swap3A = arith.constant 0 : index
      %swap3A_68 = arith.constant 0 : index
      %swap3A_69 = memref.load %arg3[%swap3A, %swap3A_68] : memref<1x1xf32, #tpu.memory_space<smem>>
      memref.store %add3A_67, %arg3[%swap3A, %swap3A_68] : memref<1x1xf32, #tpu.memory_space<smem>>
      %swap3A_70 = arith.constant 0 : index
      %swap3A_71 = arith.constant 0 : index
      %swap3A_72 = memref.load %arg4[%swap3A_70, %swap3A_71] : memref<1x1xi32, #tpu.memory_space<smem>>
      memref.store %get3A_11, %arg4[%swap3A_70, %swap3A_71] : memref<1x1xi32, #tpu.memory_space<smem>>
    } else {
    }
    return
  }
  func.func @transform_0(%arg0: i32) -> (i32, i32, i32) {
    %min3A = arith.constant 7 : i32
    %min3A_0 = arith.minsi %arg0, %min3A : i32
    %c0_i32 = arith.constant 0 : i32
    %c0_i32_1 = arith.constant 0 : i32
    %c0_i32_2 = arith.constant 0 : i32
    return %c0_i32, %min3A_0, %c0_i32_1 : i32, i32, i32
  }
  func.func @transform_1(%arg0: i32) -> (i32, i32, i32) {
    %min3A = arith.constant 7 : i32
    %min3A_0 = arith.minsi %arg0, %min3A : i32
    %c0_i32 = arith.constant 0 : i32
    %c0_i32_1 = arith.constant 0 : i32
    %c0_i32_2 = arith.constant 0 : i32
    return %c0_i32, %min3A_0, %c0_i32_1 : i32, i32, i32
  }
  func.func @transform_2(%arg0: i32) -> (i32, i32) {
    %c0_i32 = arith.constant 0 : i32
    %c0_i32_0 = arith.constant 0 : i32
    %c0_i32_1 = arith.constant 0 : i32
    return %c0_i32, %c0_i32_0 : i32, i32
  }
  func.func @transform_3(%arg0: i32) -> (i32, i32) {
    %c0_i32 = arith.constant 0 : i32
    %c0_i32_0 = arith.constant 0 : i32
    %c0_i32_1 = arith.constant 0 : i32
    return %c0_i32, %c0_i32_0 : i32, i32
  }
}

</mosaic_0001>

<sc_bundles>
// kernel: gather_offload_async_start
scs
__scs_entry_jumppad:
0x0: {  	(pc) =	sbr.rel $0x88, $3  }
0x1: {  	(tag) =	ssettag $0x0;
	lr =	simm.s32 $0x1  }
0x2: {  	[smem:$0x3F9F] =	sst lr;
	_ =	strace $0xD0000000  }
0x3: {  	_ = 	snop  }
0x4: {  	_ = 	snop  }
0x5: {  	_ = 	snop  }
0x6: {  	_ = 	snop  }
0x7: {  	_ = 	snop  }
__scs_overlays_trampoline_lowered:
0x8: {  	[smem:$0x3FAE] =	sst s0  }
0x9: {  	[smem:$0x3FAF] =	sst s1  }
0xa: {  	[smem:$0x3FB0] =	sst s2  }
0xb: {  	[smem:$0x3FB1] =	sst s3  }
0xc: {  	[smem:$0x3FB2] =	sst s4  }
0xd: {  	[smem:$0x3FB3] =	sst s5  }
0xe: {  	[smem:$0x3FB4] =	sst s6  }
0xf: {  	[smem:$0x3FB5] =	sst s7  }
0x10: {  	[smem:$0x3FB6] =	sst s8  }
0x11: {  	[smem:$0x3FB7] =	sst s9;
	s0 =	simm.s32 @!p0 $0x0  }
0x12: {  	s1 =	sld [smem:$0x3F9D];
	s0 =	simm.s32 @p0 $0x1  }
0x13: {  	[smem:$0x3FB8] =	sst s0;
	s0 =	simm.s32 @!p1 $0x0  }
0x14: {  	s2 =	sld [smem:$0x3F9C];
	s0 =	simm.s32 @p1 $0x1  }
0x15: {  	[smem:$0x3FB9] =	sst s0;
	s0 =	simm.s32 @!p2 $0x0  }
0x16: {  	s3 =	sld [smem:$0x3FDB];
	s0 =	simm.s32 @p2 $0x1  }
0x17: {  	s4 =	simm.s32 $0x1BF5;
	[smem:$0x3FBB] =	sst s0  }
0x18: {  	s0 =	sld [smem:$0x3F9E];
	_ =	swait.ge [sflag:s4], $0x0  }
0x19: {  	s7 =	sld [smem:$0x3F9F]  }
0x1a: {  	s8 =	sadd.s32 $0xFFFFE003, lr  }
0x1b: {  	s9 =	sadd.s32 $0xFFFFFEF7, lr;
	s5 =	simm.s32 $0xFFFFFFFF;
	p2 =	slt.u32 s8, $0xFFFFF086  }
0x1c: {  	p1 =	slt.u32 s9, $0xF7A;
	s5 =	simm.s32 @!p2 $0x0  }
0x1d: {  	s5 =	simm.s32 @p1 $0x1;
	p0 =	seq.s32 s7, s2  }
0x1e: {  	s7 =	smul.u32 @!p0 $0xF7A, s2;
	p2 =	seq.s32 @!p0 s5, $0x0  }
0x1f: {  	s9 =	smul.u32 $0xF7A, s1;
	s8 =	simm.s32 @!p0 $0x1BF5;
	p2 =	por !p2, p0  }
0x20: {  	[sflag:s8] =	ssyncset.s32 @!p0 $0xFFFFF086;
	s6 =	sadd.s32 @!p0 s3, s7;
	s7 =	simm.s32 @!p0 $0x108  }
0x21: {  	s3 =	sadd.s32 s3, s9;
	s6 =	sadd.s32 @!p0 $0x88, s6;
	s7 =	simm.s32 @p2 $0x1082  }
0x22: {  	[simem:s7], [sflag:s8] =	dma.local @!p0 [hbm:s6], $0xF7A  }
0x23: {  	s9 =	sor.u32 $0xD0000000, s2;
	s6 =	simm.s32 $0x108;
	_ =	swait.ge @!p0 [sflag:s8], $0x0  }
0x24: {  	s3 =	sadd.s32 $0x88, s3;
	s6 =	simm.s32 @!p1 $0x1082;
	[sflag:s4] =	ssyncset.s32 $0xFFFFF086  }
0x25: {  	[simem:s6], [sflag:s4] =	dma.local [hbm:s3], $0xF7A  }
0x26: {  	[smem:$0x3F9F] =	sst s1;
	(tag) =	ssettag s2;
	_ =	strace s9  }
0x27: {  	s1 =	sld [smem:$0x3FAF]  }
0x28: {  	s2 =	sld [smem:$0x3FB0]  }
0x29: {  	s4 =	sld [smem:$0x3FB2]  }
0x2a: {  	p0 =	seq.s32 s5, $0x0;
	s5 =	sld [smem:$0x3FB3]  }
0x2b: {  	s6 =	sld [smem:$0x3FB4]  }
0x2c: {  	s7 =	sld [smem:$0x3FB5]  }
0x2d: {  	s3 =	simm.s32 $0x108;
	s8 =	sld [smem:$0x3FB6]  }
0x2e: {  	s3 =	simm.s32 @!p0 $0x1082;
	s9 =	sld [smem:$0x3FB7]  }
0x2f: {  	lr =	sadd.s32 s0, s3;
	s0 =	sld [smem:$0x3FAE]  }
0x30: {  	s3 =	sld [smem:$0x3FB1]  }
0x31: {  	[smem:$0x3FBA] =	sst s10  }
0x32: {  	s10 =	sld [smem:$0x3FB8];
	_ =	sdelay $0x3  }
0x33: {  	p0 =	seq.s32 s10, $0x1;
	s10 =	sld [smem:$0x3FBA];
	_ =	sdelay $0x3  }
0x34: {  	[smem:$0x3FBA] =	sst s10  }
0x35: {  	s10 =	sld [smem:$0x3FB9];
	_ =	sdelay $0x3  }
0x36: {  	p1 =	seq.s32 s10, $0x1;
	s10 =	sld [smem:$0x3FBA];
	_ =	sdelay $0x3  }
0x37: {  	[smem:$0x3FBA] =	sst s10  }
0x38: {  	s10 =	sld [smem:$0x3FBB]  }
0x39: {  	_ = 	snop;
	(pc) =	sbr.ind lr, $3  }
0x3a: {  	_ = 	snop  }
0x3b: {  	_ = 	snop  }
0x3c: {  	p2 =	seq.s32 s10, $0x1;
	s10 =	sld [smem:$0x3FBA]  }
0x3d: {  	_ =	shalt  }
0x3e: {  	_ =	shalt  }
0x3f: {  	_ =	shalt  }
0x40: {  	_ =	shalt  }
0x41: {  	_ =	shalt  }
0x42: {  	_ =	shalt  }
0x43: {  	_ =	shalt  }
0x44: {  	_ =	shalt  }
0x45: {  	_ =	shalt  }
0x46: {  	_ =	shalt  }
0x47: {  	_ =	shalt  }
0x48: {  	_ =	shalt  }
0x49: {  	_ =	shalt  }
0x4a: {  	_ =	shalt  }
0x4b: {  	_ =	shalt  }
0x4c: {  	_ =	shalt  }
0x4d: {  	_ =	shalt  }
0x4e: {  	_ =	shalt  }
0x4f: {  	_ =	shalt  }
0x50: {  	_ =	shalt  }
0x51: {  	_ =	shalt  }
0x52: {  	_ =	shalt  }
0x53: {  	_ =	shalt  }
0x54: {  	_ =	shalt  }
0x55: {  	_ =	shalt  }
0x56: {  	_ =	shalt  }
0x57: {  	_ =	shalt  }
0x58: {  	_ =	shalt  }
0x59: {  	_ =	shalt  }
0x5a: {  	_ =	shalt  }
0x5b: {  	_ =	shalt  }
0x5c: {  	_ =	shalt  }
0x5d: {  	_ =	shalt  }
0x5e: {  	_ =	shalt  }
0x5f: {  	_ =	shalt  }
0x60: {  	_ =	shalt  }
0x61: {  	_ =	shalt  }
0x62: {  	_ =	shalt  }
0x63: {  	_ =	shalt  }
0x64: {  	_ =	shalt  }
0x65: {  	_ =	shalt  }
0x66: {  	_ =	shalt  }
0x67: {  	_ =	shalt  }
0x68: {  	_ =	shalt  }
0x69: {  	_ =	shalt  }
0x6a: {  	_ =	shalt  }
0x6b: {  	_ =	shalt  }
0x6c: {  	_ =	shalt  }
0x6d: {  	_ =	shalt  }
0x6e: {  	_ =	shalt  }
0x6f: {  	_ =	shalt  }
0x70: {  	_ =	shalt  }
0x71: {  	_ =	shalt  }
0x72: {  	_ =	shalt  }
0x73: {  	_ =	shalt  }
0x74: {  	_ =	shalt  }
0x75: {  	_ =	shalt  }
0x76: {  	_ =	shalt  }
0x77: {  	_ =	shalt  }
0x78: {  	_ =	shalt  }
0x79: {  	_ =	shalt  }
0x7a: {  	_ =	shalt  }
0x7b: {  	_ =	shalt  }
0x7c: {  	_ =	shalt  }
0x7d: {  	_ =	shalt  }
0x7e: {  	_ =	shalt  }
0x7f: {  	_ =	shalt  }
0x80: {  	_ =	shalt  }
0x81: {  	_ =	shalt  }
0x82: {  	_ =	shalt  }
0x83: {  	_ =	shalt  }
0x84: {  	_ =	shalt  }
0x85: {  	_ =	shalt  }
0x86: {  	_ =	shalt  }
0x87: {  	_ =	shalt  }
.Lfunc_end0:
.L_simem_size_0:
called_computation_lowered:
.L_overlay_start_0:
0x88: {  	s2 =	sld [smem:$0x3FD9]  }
0x89: {  	s3 =	sld [smem:$0x3FFE];
	_ =	sdelay $0x1  }
0x8a: {  	s1 =	srdreg.scid  }
0x8b: {  	s0 =	sand.u32 $0x1, s1  }
0x8c: {  	s16 =	sshll.u32 s0, $0xA;
	s2 =	sadd.s32 s3, s2  }
0x8d: {  	s2 =	sadd.s32 s2, s16  }
0x8e: {  	[smem:$0x3FC6] =	sst s2  }
0x8f: {  	_ = 	snop  }
0x90: {  	(tm) =	ssettm $0x1  }
0x91: {  	s17 =	sld [smem:$0x3FFB];
	_ =	sdelay $0x3  }
0x92: {  	_ =	strace s17  }
0x93: {  	s2 =	sld [smem:$0x3FFC];
	_ =	sdelay $0x3  }
0x94: {  	_ =	strace s2  }
0x95: {  	s2 =	sld [smem:$0x3FFD];
	_ =	sdelay $0x3  }
0x96: {  	_ =	strace s2  }
0x97: {  	_ =	strace $0x8FFFFFFF  }
0x98: {  	s18 =	sld [smem:$0x3FDB];
	_ =	sdelay $0x1  }
0x99: {  	s19 =	simm.s32 $_scs_section_size  }
0x9a: {  	s4 =	simm.s32 $_size__tile_overlayer_lowered;
	s5 =	simm.s32 $_tile_overlayer_lowered  }
0x9b: {  	s22 =	simm.s32 $0x1BFF;
	s21 =	sshll.u32 s5, $0x1;
	s2 =	sadd.s32 s19, s18  }
0x9c: {  	s6 =	simm.s32 $0x0;
	s20 =	sshll.u32 s4, $0x1;
	s4 =	sadd.s32 s21, s2  }
0x9d: {  	[timem:s6], [sflag:s22] =	dma.local [hbm:s4], s20  }
0x9e: {  	_ =	swait.ge [sflag:s22], s20  }
0x9f: {  	s3 =	ssub.s32 $0x0, s20;
	[sflag:s22] =	ssyncset.done $0x0  }
0xa0: {  	[sflag:s22] =	ssyncadd.s32 s3;
	_ =	sdelay $0x1  }
0xa1: {  	s23 =	simm.s32 $0x1B8B  }
0xa2: {  	_ =	swait.ge [sflag:s23], $0x1  }
0xa3: {  	[sflag:s23] =	ssyncset.done $0x0  }
0xa4: {  	s25 =	simm.s32 $0x1B8E;
	s24 =	sld [smem:$0x3FFE];
	[sflag:s23] =	ssyncadd.s32 $0xFFFFFFFF  }
0xa5: {  	s26 =	simm.s32 $execute0_lowered;
	[smem:$0x3FD2] =	sst s25  }
0xa6: {  	s4 =	sshll.u32 s26, $0x1;
	_ =	strace $0x80000046;
	[dreg:$0x1] =	wrdreg $0xFFFFFFFF  }
0xa7: {  	s28 =	simm.s32 $_size_execute0_lowered;
	s2 =	sadd.s32 s2, s4;
	[dreg:$0x0] =	wrdreg $0x0  }
0xa8: {  	s4 =	sshll.u32 s28, $0x1;
	[dreg:$0x2] =	wrdreg s2  }
0xa9: {  	[dreg:$0x3] =	wrdreg s4  }
0xaa: {  	[dreg:$0x4] =	wrdreg $0xC0  }
0xab: {  	_ =	task [dreg:s6], $0x5FFFF  }
0xac: {  	[dreg:$0x1] =	wrdreg $0xFFFFFFFF  }
0xad: {  	[dreg:$0x0] =	wrdreg $0x60  }
0xae: {  	[dreg:$0x2] =	wrdreg s24  }
0xaf: {  	[dreg:$0x3] =	wrdreg $0x9  }
0xb0: {  	_ =	task.clear_ibuf [dreg:s6], $0x4FFFF;
	_ =	strace $0x90000046  }
0xb1: {  	s29 =	simm.s32 $0x9;
	_ =	strace $0x80000048  }
0xb2: {  	_ =	swait.ge [sflag:s29], $0x1  }
0xb3: {  	[sflag:s29] =	ssyncadd.s32 $0xFFFFFFFF  }
0xb4: {  	_ =	strace $0x90000048  }
0xb5: {  	_ =	sfence  }
0xb6: {  	s30 =	sld [smem:$0x0];
	_ =	sdelay $0x2  }
0xb7: {  	s31 =	sshll.u32 s1, $0xD;
	s1 =	sshrl.u32 s1, $0x2  }
0xb8: {  	s3 =	sand.u32 $0x4000, s31;
	s1 =	sadd.s32 s1, s30  }
0xb9: {  	s0 =	sor.u32 s3, s0;
	s1 =	sshll.u32 s1, $0x11  }
0xba: {  	s0 =	sor.u32 s1, s0  }
0xbb: {  	s0 =	sadd.s32 $0x8F2B, s0  }
0xbc: {  	[sflag:s0] =	ssyncadd.remote.s32 $0x1  }
0xbd: {  	_ =	sfence.sel $0xFFFF  }
0xbe: {  	[dreg:$0x0] =	wrdreg $0xFFFFFFFF;
	(pc) =	sbr.abs _section_cstart, $3  }
0xbf: {  	[dreg:$0x1] =	wrdreg $0xFFFFFFFF  }
0xc0: {  	_ =	task.clear_ibuf [dreg:s6], $0x2FFFF;
	_ =	strace $0x9FFFFFFF  }
0xc1: {  	(tm) =	ssettm $0x7FFFFFFF  }
tec
execute0_lowered:
.L_overlay_start_1:
0x0: {  	(tag) =	ssettag $0x1  }
0x1: {  	s0 =	srdreg.scid;
	s5 =	rddreg [dreg:$0x0]  }
0x2: {  	s1 =	stileid.u32;
	s6 =	simm.s32 $0x1;
	s9 =	simm.s32 $0x1  }
0x3: {  	s10 =	simm.s32 $0x3;
	s13 =	simm.s32 $0x0;
	s2 =	sshll.u32 s0, $0xF  }
0x4: {  	s12 =	simm.s32 $0x0;
	s3 =	sshll.u32 s1, $0x10;
	s2 =	sand.u32 $0x8000, s2  }
0x5: {  	s0 =	rddreg [dreg:$0x1];
	_ =	strace $0x80000047;
	s2 =	sor.u32 s3, s2  }
0x6: {  	s4 =	sadd.s32 $0x200, s5;
	[sflag:s6] =	ssyncpa.u1 $0x0;
	s8 =	ssub.s32 $0x200000, s2  }
.Ltmp0:
0x7: {  	s3 =	sadd.s32 $0x40600, s5;
	s7 =	sand.u32 $0xF8000, s8;
	(pc) =	sbr.rel .LBB2_1-.Ltmp0, $4  }
0x8: {  	s5 =	sadd.s32 $0x120A00, s5;
	s11 =	smov.u32 s2;
	p0 =	sne.s32 s7, $0x0  }
0x9: {  	s8 =	sshrl.u32 s8, $0x14;
	s7 =	simm.s32 $0x2;
	s9 =	simm.s32 @!p0 $0x0  }
0xa: {  	[sflag:s7] =	ssyncpa.u1 $0x0;
	p0 =	por $0x0, $0x0;
	s8 =	sadd.s32 s9, s8  }
0xb: {  	vm0 =	vmmov $0xffff;
	[sflag:s10] =	ssyncpa.u1 $0x0;
	s10 =	simm.s32 $0x0;
	s9 =	sadd.s32 $0x1, s8  }
.LBB2_4:
0xc: {  	v2 =	vnsel vm1, $0x0, v2  }
0xd: {  	vm1 =	vgt.s32 v0, $0x0;
	v2 =	vmin.u32 v2, $0x1FFFFF  }
0xe: {  	v0 =	vnsel vm1, $0x0, v0  }
0xf: {  	v0 =	vmin.u32 v0, $0x1FFFFF  }
0x10: {  	[tilespmem:s15], [sflag:$0x1] =	stream.indirect_vreg.gather [hbm4b:s3+s10], $0x1, v1, vm0, $0x4038;
	v63 =	vld [tilespmem:$0x0]  }
0x11: {  	(ifvalue) =	ssetifvalue $0x7FFFFFFF  }
0x12: {  	[tilespmem:s16], [sflag:$0x1] =	stream.indirect_vreg.gather [hbm4b:s3+s10], $0x1, v2, vm0, $0x4038;
	v63 =	vld [tilespmem:$0x0]  }
0x13: {  	s29 =	sadd.s32 $0x10, s16;
	(ifvalue) =	ssetifvalue $0x7FFFFFFF  }
0x14: {  	[tilespmem:s29], [sflag:$0x1] =	stream.indirect_vreg.gather [hbm4b:s3+s10], $0x1, v0, vm0, $0x4038;
	v63 =	vld [tilespmem:$0x0]  }
0x15: {  	_ =	swait.ge [sflag:s6], $0x8000  }
0x16: {  	s30 =	sshrl.u32 s13, $0x3;
	[sflag:s6] =	ssyncset.done $0x0  }
0x17: {  	s31 =	sand.u32 $0x7, s13;
	s15 =	sadd.s32 s5, s30;
	[sflag:s6] =	ssyncadd.s32 $0xFFFF8000  }
0x18: {  	[hbm4b:s15+s31] =	stream.linear.scatter [tilespmem:s14], [sflag:$0x3], $0x8000, $0x38;
	v63 =	vld [tilespmem:$0x0]  }
.LBB2_5:
0x19: {  	s15 =	sadd.s32 $0x100000, s11  }
0x1a: {  	p2 =	sgt.s32 s15, $0x1FFFFF  }
0x1b: {  	s15 =	smov.u32 @p2 s2;
	p2 =	sne.s32 s12, s9  }
.Ltmp1:
0x1c: {  	p1 =	slt.u32 s12, $0x2;
	(pc) =	sbr.rel @!p2 .LBB2_6-.Ltmp1, $4  }
0x1d: {  	s14 =	simm.s32 @!p1 $0x3  }
0x1e: {  	s16 =	sadd.s32 $0x1, s12;
	_ =	swait.ge @!p1 [sflag:s14], $0x8000  }
0x1f: {  	s13 =	smov.u32 s11;
	p0 =	por !p0, !p0;
	[sflag:s14] =	ssyncset.done @!p1 $0x0  }
0x20: {  	s12 =	smov.u32 s16;
	s11 =	smov.u32 s15;
	[sflag:s14] =	ssyncadd.s32 @!p1 $0xFFFF8000  }
.LBB2_1:
0x21: {  	p1 =	sge.u32 s12, s8  }
0x22: {  	s14 =	sxor.u32 @!p1 $0xFFFFFFFF, s12  }
0x23: {  	s31 =	sadd.s32 $0xFFFFFFFF, s12;
	s15 =	sshrl.u32 @!p1 s11, $0x3;
	s14 =	sshll.u32 @!p1 s14, $0xF  }
0x24: {  	s16 =	sand.u32 @!p1 $0x7, s11;
	s15 =	sadd.s32 @!p1 s4, s15;
	s14 =	sand.u32 @!p1 $0x8000, s14  }
0x25: {  	[tilespmem:s14], [sflag:$0x2] =	stream.linear.gather @!p1 [hbm4b:s15+s16], $0x8000, $0x38;
	v63 =	vld [tilespmem:$0x0]  }
0x26: {  	p1 =	sge.u32 s31, s8  }
.Ltmp2:
0x27: {  	_ = 	snop;
	(pc) =	sbr.rel @p1 .LBB2_5-.Ltmp2, $1  }
0x28: {  	_ =	sdelay $0x3  }
0x29: {  	s14 =	simm.s32 $0x1  }
0x2a: {  	_ =	swait.ge [sflag:s7], $0x8000;
	s14 =	simm.s32 @!p0 $0x0  }
0x2b: {  	[sflag:s7] =	ssyncset.done $0x0;
	s14 =	sshll.u32 s14, $0xF  }
0x2c: {  	[sflag:s7] =	ssyncadd.s32 $0xFFFF8000;
	(ifvalue) =	ssetifvalue $0x7FFFFFFF;
	v0 =	vld.msk [tilespmem:s14+$0x0 ss:$0x1], $0xffff;
	_ =	sdelay $0x4  }
0x2d: {  	s15 =	sadd.s32 $0x10, s14;
	vm1 =	vgt.s32 v0, $0x0  }
0x2e: {  	v2 =	vld.msk [tilespmem:s15+$0x0 ss:$0x1], $0xffff;
	v1 =	vnsel vm1, $0x0, v0  }
0x2f: {  	v1 =	vmin.u32 v1, $0x1FFFFF;
	_ =	sdelay $0x1  }
0x30: {  	s16 =	sshll.u32 s12, $0xF;
	s18 =	simm.s32 $0x20  }
0x31: {  	s16 =	sand.u32 $0x8000, s16;
	s17 =	sadd.s32 $0x10, s15;
	s15 =	sor.u32 $0x10000, s14  }
0x32: {  	s14 =	sor.u32 $0x10000, s16;
	s16 =	sadd.s32 $0x10, s15;
	v0 =	vld.msk [tilespmem:s17+$0x0 ss:$0x1], $0xffff;
	vm1 =	vgt.s32 v2, $0x0;
	(ifvalue) =	ssetifvalue $0x7FFFFFFF  }
.LBB2_3:
0x33: {  	[tilespmem:s15], [sflag:$0x1] =	stream.indirect_vreg.gather [hbm4b:s3+s10], $0x1, v1, vm0, $0x4038;
	v63 =	vld [tilespmem:$0x0]  }
0x34: {  	s18 =	sadd.s32 $0x10, s18  }
0x35: {  	v2 =	vnsel vm1, $0x0, v2;
	p1 =	slt.u32 s18, $0x7FF0  }
.Ltmp3:
0x36: {  	s15 =	smov.u32 s16;
	v1 =	vmin.u32 v2, $0x1FFFFF;
	(pc) =	sbr.rel @p1 .LBB2_3-.Ltmp3, $3  }
0x37: {  	_ =	sdelay $0x1  }
0x38: {  	s17 =	sadd.s32 $0x10, s17  }
0x39: {  	vm1 =	vgt.s32 v0, $0x0;
	s16 =	sadd.s32 $0x10, s16;
	v2 =	vmov v0;
	(ifvalue) =	ssetifvalue $0x7FFFFFFF;
	v0 =	vld.msk [tilespmem:s17+$0x0 ss:$0x1], $0xffff  }
.Ltmp4:
0x3a: {  	_ = 	snop;
	(pc) =	sbr.rel .LBB2_4-.Ltmp4, $1  }
0x3b: {  	_ =	sdelay $0x3  }
.LBB2_6:
0x3c: {  	_ =	sfence.sel $0x180000  }
0x3d: {  	s2 =	simm.s32 $0x2;
	[bflag:$0x0] =	sbarrier.arrive $0xFFFF  }
0x3e: {  	s30 =	simm.s32 $0x3;
	[sflag:s2] =	ssyncpa.u1 $0x1  }
0x3f: {  	s31 =	simm.s32 $0x1;
	[sflag:s30] =	ssyncpa.u1 $0x1  }
0x40: {  	[sflag:s31] =	ssyncpa.u1 $0x1  }
0x41: {  	p0 =	sne.s32 s1, $0x0;
	_ =	strace $0x90000047  }
0x42: {  	s0 =	sadd.s32 @!p0 $0x100000, s0;
	[bflag:$0x2] =	sbarrier.arrive $0xFFFF  }
0x43: {  	[sflag:s0] =	ssyncadd.tile.s32 @!p0 $0x1;
	_ =	shalt  }
.Lfunc_end2:
_tile_overlayer_lowered:
.L_overlay_start_2:
0x44: {  	(tag) =	ssettag $0x2  }
0x45: {  	s0 =	rddreg [dreg:$0x0];
	s2 =	stileid.u32  }
0x46: {  	s1 =	rddreg [dreg:$0x1];
	p0 =	sne.s32 s2, $0x0  }
0x47: {  	s3 =	rddreg [dreg:$0x2];
	[bflag:$0x3] =	sbarrier.arrive $0xFFFF;
	s2 =	simm.s32 @!p0 $0x1C01  }
0x48: {  	[timem:s3], [sflag:s2] =	dma.local @!p0 [hbm:s0], s1  }
0x49: {  	s0 =	simm.s32 @!p0 $0x1  }
0x4a: {  	_ =	swait.ge @!p0 [sflag:s0], s1  }
0x4b: {  	s1 =	ssub.s32 @!p0 $0x0, s1;
	[sflag:s0] =	ssyncset.done @!p0 $0x0  }
0x4c: {  	[sflag:s0] =	ssyncadd.s32 @!p0 s1  }
0x4d: {  	[bflag:$0x3] =	sbarrier.arrive $0xFFFF  }
0x4e: {  	_ =	shalt  }

</sc_bundles>
